<compile_context>
chip_gen: v7x
topology: tpu7x:2x2x1
jax: 0.10.2.dev20260603
libtpu: 0.0.44.dev20260713+nightly
codegen_flags: <defaults>
</compile_context>

<pallas_src>
import jax
import jax.numpy as jnp
from jax import lax
from jax.experimental import pallas as pl
from jax.experimental.pallas import tpu as pltpu
from jax.experimental.pallas import tpu_sc as plsc

_B, _S, _H = 4, 8192, 768
_K = _S // 2
_ALPHA = 0.1
_BS = 4096
_NBLK = (_B * _S) // _BS
_RPB = _S // _BS
_BSU = 2048
_NBU = (_B * _S) // _BSU
_RPU = _S // _BSU


def _router_threshold_body(x_ref, w_ref, sc_ref, thr_ref, ntk_ref, zl_ref,
                           sc_acc, lg_acc):
    i = pl.program_id(0)
    x = x_ref[...]
    w = w_ref[...]
    lg = lax.dot_general(w, x, (((1,), (1,)), ((), ())),
                         preferred_element_type=jnp.float32)
    sc = _ALPHA / (1.0 + jnp.exp(-lg))
    sc_ref[...] = sc[:, None, :]
    sc_acc[pl.ds(i, 1)] = sc[:, None, :]
    lg_acc[pl.ds(i, 1)] = lg[:, None, :]

    @pl.when(i == _NBLK - 1)
    def _():
        s = sc_acc[...]
        l = lg_acc[...]
        chunks = [s[b * _RPB:(b + 1) * _RPB] for b in range(_B)]

        def body(_, carry):
            los, his = carry
            new_lo, new_hi = [], []
            for b in range(_B):
                mid = los[b] + lax.shift_right_logical(his[b] - los[b], 1)
                t = lax.bitcast_convert_type(mid, jnp.float32)
                cnt = jnp.sum((chunks[b] >= t).astype(jnp.int32))
                pred = cnt >= _K
                new_lo.append(jnp.where(pred, mid, los[b]))
                new_hi.append(jnp.where(pred, his[b], mid))
            return (tuple(new_lo), tuple(new_hi))

        lo0 = tuple(jnp.int32(0) for _ in range(_B))
        hi0 = tuple(jnp.int32(0x7F800000) for _ in range(_B))
        los, _ = lax.fori_loop(0, 31, body, (lo0, hi0))
        thrs, ntks, zs = [], [], []
        for b in range(_B):
            t = lax.bitcast_convert_type(los[b], jnp.float32)
            cnt_gt = jnp.sum((chunks[b] > t).astype(jnp.int32))
            thrs.append(jnp.full((1, 16), t, jnp.float32))
            ntks.append(jnp.full((1, 16), _K - cnt_gt, jnp.int32))
            lc = l[b * _RPB:(b + 1) * _RPB]
            mx = jnp.max(lc)
            z = jnp.log(jnp.sum(jnp.exp(lc - mx))) + mx
            zs.append(z * z)
        thr_ref[...] = jnp.concatenate(thrs, axis=0)
        ntk_ref[...] = jnp.concatenate(ntks, axis=0)
        zl_ref[...] = jnp.full((1, 1),
                               (zs[0] + zs[1] + zs[2] + zs[3]) / float(_B),
                               jnp.float32)


def _sc_compact_body(sc_hbm, thr_hbm, ntk_hbm, sel_out,
                     s_v, idx_v, thr_v, ntk_v):
    b = lax.axis_index("s") * 2 + lax.axis_index("c")

    @pl.when(b < _B)
    def _():
        pltpu.sync_copy(sc_hbm.at[pl.ds(b * _S, _S)], s_v)
        pltpu.sync_copy(thr_hbm.at[pl.ds(b * 16, 16)], thr_v)
        pltpu.sync_copy(ntk_hbm.at[pl.ds(b * 16, 16)], ntk_v)
        thr = thr_v[...]
        ntk = ntk_v[...]
        zero_i = jnp.zeros((16,), jnp.int32)
        one_i = jnp.ones((16,), jnp.int32)

        def body(i, carry):
            eq_seen, off = carry
            sl = s_v[pl.ds(i * 16, 16)]
            gt = sl > thr
            eq = sl == thr
            eqi = jnp.where(eq, one_i, zero_i)
            csum = plsc.cumsum(eqi)
            eq_seen_v = jnp.full((16,), eq_seen, jnp.int32)
            rank = (csum - eqi) + eq_seen_v
            take = jnp.logical_and(eq, rank < ntk)
            mask = jnp.logical_or(gt, take)
            idx = lax.iota(jnp.int32, 16) + jnp.full((16,), i * 16, jnp.int32)
            plsc.store_compressed(idx_v.at[pl.ds(off, 16)], idx, mask=mask)
            nsel = jnp.sum(jnp.where(mask, one_i, zero_i))
            neq = jnp.sum(eqi)
            return (eq_seen + neq, off + nsel)

        lax.fori_loop(0, _S // 16, body,
                      (jnp.int32(0), jnp.int32(0)), unroll=False)
        pltpu.sync_copy(idx_v.at[pl.ds(0, _K)], sel_out.at[pl.ds(b * _K, _K)])


def _update_body(x_ref, wr_ref, thr_ref, w_ref, o_ref):
    x = x_ref[...]
    wr = wr_ref[...]
    lg = lax.dot_general(x, wr, (((1,), (1,)), ((), ())),
                         preferred_element_type=jnp.float32)
    sc = _ALPHA / (1.0 + jnp.exp(-lg))
    thr = thr_ref[0, 0, 0]
    m = jnp.where(sc >= thr, sc, 0.0)
    y = jnp.dot(x.astype(jnp.bfloat16), w_ref[...],
                preferred_element_type=jnp.float32)
    o_ref[...] = x + m * y


def kernel(hidden_states, router_w, block_w):
    f32 = jnp.float32
    i32 = jnp.int32
    hs2d = hidden_states.reshape(_B * _S, _H)
    w_row = router_w.reshape(1, _H)

    sc_rows, thr16, ntk16, zl = pl.pallas_call(
        _router_threshold_body,
        grid=(_NBLK,),
        in_specs=[
            pl.BlockSpec((_BS, _H), lambda i: (i, 0)),
            pl.BlockSpec((1, _H), lambda i: (0, 0)),
        ],
        out_specs=[
            pl.BlockSpec((1, 1, _BS), lambda i: (i, 0, 0)),
            pl.BlockSpec((_B, 16), lambda i: (0, 0)),
            pl.BlockSpec((_B, 16), lambda i: (0, 0)),
            pl.BlockSpec((1, 1), lambda i: (0, 0)),
        ],
        out_shape=[
            jax.ShapeDtypeStruct((_NBLK, 1, _BS), f32),
            jax.ShapeDtypeStruct((_B, 16), f32),
            jax.ShapeDtypeStruct((_B, 16), i32),
            jax.ShapeDtypeStruct((1, 1), f32),
        ],
        scratch_shapes=[
            pltpu.VMEM((_NBLK, 1, _BS), jnp.float32),
            pltpu.VMEM((_NBLK, 1, _BS), jnp.float32),
        ],
    )(hs2d, w_row)

    mesh = plsc.VectorSubcoreMesh(core_axis_name="c", subcore_axis_name="s")
    sel1d = pl.kernel(
        _sc_compact_body,
        out_type=jax.ShapeDtypeStruct((_B * _K,), i32),
        mesh=mesh,
        compiler_params=pltpu.CompilerParams(needs_layout_passes=False),
        scratch_types=[
            pltpu.VMEM((_S,), f32),
            pltpu.VMEM((_K + 16,), i32),
            pltpu.VMEM((16,), f32),
            pltpu.VMEM((16,), i32),
        ],
    )(sc_rows.reshape(_B * _S), thr16.reshape(_B * 16), ntk16.reshape(_B * 16))

    thr3d = thr16.reshape(_B, 1, 16)
    w_bf = block_w.astype(jnp.bfloat16)

    out2d = pl.pallas_call(
        _update_body,
        grid=(_NBU,),
        in_specs=[
            pl.BlockSpec((_BSU, _H), lambda i: (i, 0)),
            pl.BlockSpec((1, _H), lambda i: (0, 0)),
            pl.BlockSpec((1, 1, 16), lambda i: (i // _RPU, 0, 0)),
            pl.BlockSpec((_H, _H), lambda i: (0, 0)),
        ],
        out_specs=pl.BlockSpec((_BSU, _H), lambda i: (i, 0)),
        out_shape=jax.ShapeDtypeStruct((_B * _S, _H), f32),
    )(hs2d, w_row, thr3d, w_bf)

    output = out2d.reshape(_B, _S, _H)
    return output, zl[0, 0], sel1d.reshape(_B, _K)

# --- scband reference (transcript-rebuilt; emitter-appended) ---
"""Pipeline reference for scband-mo-rapefor-causal-lm-81784767251166 (READ-ONLY COPY).

The authoritative reference and input builder live on the scoring server;
editing this copy changes nothing except your own understanding.
"""

import jax, jax.numpy as jnp
import numpy as np

B, S, H = 4, 8192, 768
ALPHA = 0.1
TEMP = 1.0
CAP = 0.5

def setup_inputs(seed: int = 0) -> dict:
    key = jax.random.key(seed)
    k1, k2, k3 = jax.random.split(key, 3)
    hidden_states = jax.random.normal(k1, (B, S, H), dtype=jnp.float32)
    # LinearRouter weight: nn.Linear(hidden_size, 1, bias=False), init normal std=0.02
    router_w = jax.random.normal(k2, (H, 1), dtype=jnp.float32) * 0.02
    # Single recursion block modeled as a linear transform hidden->hidden
    block_w = jax.random.normal(k3, (H, H), dtype=jnp.float32) * 0.02
    return {"hidden_states": hidden_states, "router_w": router_w, "block_w": block_w}

def reference(hidden_states, router_w, block_w):
    # ExpertChoiceMoRBlock.forward with prev_selected_tokens=None
    Bq, Sq, Hq = hidden_states.shape
    # router_logits = self.router(x / self.config.router_temp)
    router_logits = (hidden_states / TEMP) @ router_w  # [B, S, 1]
    # sigmoid router func
    router_weights = jax.nn.sigmoid(router_logits)
    router_probs = router_weights * ALPHA
    # top_k = max(1, int(capacity_factor * current_seq_len))
    top_k = max(1, int(CAP * Sq))
    scores = router_probs[..., 0]  # [B, S]
    weights, selected_indices = jax.lax.top_k(scores, top_k)  # [B, k]
    # selected_indices, sort_idx = torch.sort(selected_indices, dim=1)
    sort_idx = jnp.argsort(selected_indices, axis=1)
    selected_sorted = jnp.take_along_axis(selected_indices, sort_idx, axis=1)
    weights = jnp.take_along_axis(weights, sort_idx, axis=1)  # [B, k]
    # gather selected tokens
    selected_tokens = jnp.take_along_axis(hidden_states, selected_sorted[:, :, None], axis=1)  # [B, k, H]
    # for block in self.blocks: selected_tokens = block(selected_tokens)
    selected_tokens = selected_tokens @ block_w
    # weighted gating
    processed = selected_tokens * weights[:, :, None]
    # scatter_add back into full sequence
    batch_idx = jnp.broadcast_to(jnp.arange(Bq)[:, None], selected_sorted.shape)
    output = hidden_states.at[batch_idx, selected_sorted].add(processed)
    # router z-loss
    z = jax.nn.logsumexp(router_logits[..., 0], axis=-1)
    router_z_loss = jnp.mean(z ** 2)
    return output, router_z_loss, selected_sorted

if __name__ == "__main__":
    import jax
    _d = setup_inputs()
    print(jax.jit(kernel)(*tuple(_d.values())))

</pallas_src>

<mosaic_0001>
#map = affine_map<(d0, d1) -> (0)>
module attributes {stable_mosaic.version = 14 : i64} {
  func.func @_sc_compact_body(%arg0: i32, %arg1: i32, %arg2: memref<32768xf32, #tpu.memory_space<hbm>>, %arg3: memref<64xf32, #tpu.memory_space<hbm>>, %arg4: memref<64xi32, #tpu.memory_space<hbm>>, %arg5: memref<16384xi32, #tpu.memory_space<hbm>>, %arg6: memref<8192xf32, #tpu.memory_space<vmem>>, %arg7: memref<4112xi32, #tpu.memory_space<vmem>>, %arg8: memref<16xf32, #tpu.memory_space<vmem>>, %arg9: memref<16xi32, #tpu.memory_space<vmem>>) attributes {dimension_semantics = [#tpu.dimension_semantics<core_parallel>, #tpu.dimension_semantics<subcore_parallel>], iteration_bounds = array<i64: 2, 16>, scalar_prefetch = 0 : i64, scratch_operands = 4 : i64, tpu.core_type = #tpu.core_type<sc_vector_subcore>, window_params = [{transform_indices = #map}, {transform_indices = #map}, {transform_indices = #map}, {transform_indices = #map}]} {
    %mul3A = arith.constant 2 : i32
    %mul3A_0 = arith.muli %arg1, %mul3A : i32
    %add3A = arith.addi %mul3A_0, %arg0 : i32
    %lt3A = arith.constant 4 : i32
    %lt3A_1 = arith.cmpi slt, %add3A, %lt3A : i32
    %convert_element_type3A = arith.extui %lt3A_1 : i1 to i32
    %cond3A = arith.constant 0 : i32
    %cond3A_2 = arith.cmpi ne, %convert_element_type3A, %cond3A : i32
    scf.if %cond3A_2 {
      %mul3A_3 = arith.constant 8192 : i32
      %mul3A_4 = arith.muli %add3A, %mul3A_3 : i32
      "tpu.region"() ({
        %run_scoped3A = tpu.sem_alloc : memref<!tpu.dma_semaphore, #tpu.memory_space<semaphore_mem>>
        %dma_start3A = tpu.memref_slice %arg2[%mul3A_4] : memref<32768xf32, #tpu.memory_space<hbm>> -> memref<8192xf32, #tpu.memory_space<hbm>>
        %dma_start3A_24 = tpu.memref_slice %arg2[%mul3A_4] : memref<32768xf32, #tpu.memory_space<hbm>> -> memref<8192xf32, #tpu.memory_space<hbm>>
        tpu.enqueue_dma source(%dma_start3A_24 : memref<8192xf32, #tpu.memory_space<hbm>>) target(%arg6 : memref<8192xf32, #tpu.memory_space<vmem>>) target_semaphore(%run_scoped3A : memref<!tpu.dma_semaphore, #tpu.memory_space<semaphore_mem>>)
        %dma_wait3A = tpu.memref_slice %arg2[%mul3A_4] : memref<32768xf32, #tpu.memory_space<hbm>> -> memref<8192xf32, #tpu.memory_space<hbm>>
        %dma_wait3A_25 = tpu.memref_slice %arg2[%mul3A_4] : memref<32768xf32, #tpu.memory_space<hbm>> -> memref<8192xf32, #tpu.memory_space<hbm>>
        tpu.wait_dma2 semaphore(%run_scoped3A : memref<!tpu.dma_semaphore, #tpu.memory_space<semaphore_mem>>) src(%dma_wait3A_25 : memref<8192xf32, #tpu.memory_space<hbm>>) dst(%arg6 : memref<8192xf32, #tpu.memory_space<vmem>>)
        tpu.yield
      }) : () -> ()
      %mul3A_5 = arith.constant 16 : i32
      %mul3A_6 = arith.muli %add3A, %mul3A_5 : i32
      "tpu.region"() ({
        %run_scoped3A = tpu.sem_alloc : memref<!tpu.dma_semaphore, #tpu.memory_space<semaphore_mem>>
        %dma_start3A = tpu.memref_slice %arg3[%mul3A_6] : memref<64xf32, #tpu.memory_space<hbm>> -> memref<16xf32, #tpu.memory_space<hbm>>
        %dma_start3A_24 = tpu.memref_slice %arg3[%mul3A_6] : memref<64xf32, #tpu.memory_space<hbm>> -> memref<16xf32, #tpu.memory_space<hbm>>
        tpu.enqueue_dma source(%dma_start3A_24 : memref<16xf32, #tpu.memory_space<hbm>>) target(%arg8 : memref<16xf32, #tpu.memory_space<vmem>>) target_semaphore(%run_scoped3A : memref<!tpu.dma_semaphore, #tpu.memory_space<semaphore_mem>>)
        %dma_wait3A = tpu.memref_slice %arg3[%mul3A_6] : memref<64xf32, #tpu.memory_space<hbm>> -> memref<16xf32, #tpu.memory_space<hbm>>
        %dma_wait3A_25 = tpu.memref_slice %arg3[%mul3A_6] : memref<64xf32, #tpu.memory_space<hbm>> -> memref<16xf32, #tpu.memory_space<hbm>>
        tpu.wait_dma2 semaphore(%run_scoped3A : memref<!tpu.dma_semaphore, #tpu.memory_space<semaphore_mem>>) src(%dma_wait3A_25 : memref<16xf32, #tpu.memory_space<hbm>>) dst(%arg8 : memref<16xf32, #tpu.memory_space<vmem>>)
        tpu.yield
      }) : () -> ()
      %mul3A_7 = arith.constant 16 : i32
      %mul3A_8 = arith.muli %add3A, %mul3A_7 : i32
      "tpu.region"() ({
        %run_scoped3A = tpu.sem_alloc : memref<!tpu.dma_semaphore, #tpu.memory_space<semaphore_mem>>
        %dma_start3A = tpu.memref_slice %arg4[%mul3A_8] : memref<64xi32, #tpu.memory_space<hbm>> -> memref<16xi32, #tpu.memory_space<hbm>>
        %dma_start3A_24 = tpu.memref_slice %arg4[%mul3A_8] : memref<64xi32, #tpu.memory_space<hbm>> -> memref<16xi32, #tpu.memory_space<hbm>>
        tpu.enqueue_dma source(%dma_start3A_24 : memref<16xi32, #tpu.memory_space<hbm>>) target(%arg9 : memref<16xi32, #tpu.memory_space<vmem>>) target_semaphore(%run_scoped3A : memref<!tpu.dma_semaphore, #tpu.memory_space<semaphore_mem>>)
        %dma_wait3A = tpu.memref_slice %arg4[%mul3A_8] : memref<64xi32, #tpu.memory_space<hbm>> -> memref<16xi32, #tpu.memory_space<hbm>>
        %dma_wait3A_25 = tpu.memref_slice %arg4[%mul3A_8] : memref<64xi32, #tpu.memory_space<hbm>> -> memref<16xi32, #tpu.memory_space<hbm>>
        tpu.wait_dma2 semaphore(%run_scoped3A : memref<!tpu.dma_semaphore, #tpu.memory_space<semaphore_mem>>) src(%dma_wait3A_25 : memref<16xi32, #tpu.memory_space<hbm>>) dst(%arg9 : memref<16xi32, #tpu.memory_space<vmem>>)
        tpu.yield
      }) : () -> ()
      %get3A = arith.constant 0 : index
      %get3A_9 = tpu.vector_load %arg8[%get3A] {strides = array<i32>} : memref<16xf32, #tpu.memory_space<vmem>>, vector<16xf32>,
      %get3A_10 = arith.constant 0 : index
      %get3A_11 = tpu.vector_load %arg9[%get3A_10] {strides = array<i32>} : memref<16xi32, #tpu.memory_space<vmem>>, vector<16xi32>,
      %broadcast_in_dim3A = arith.constant 0 : i32
      %broadcast_in_dim3A_12 = vector.broadcast %broadcast_in_dim3A : i32 to vector<16xi32>
      %broadcast_in_dim3A_13 = arith.constant 1 : i32
      %broadcast_in_dim3A_14 = vector.broadcast %broadcast_in_dim3A_13 : i32 to vector<16xi32>
      %scan3A = arith.constant 0 : i32
      %scan3A_15 = arith.constant 0 : i32
      %scan3A_16 = arith.constant 0 : i32
      %scan3A_17 = arith.constant 512 : i32
      %scan3A_18 = arith.addi %scan3A_16, %scan3A_17 : i32
      %scan3A_19 = arith.constant 1 : i32
      %scan3A_20:2 = scf.for %scan3A_24 = %scan3A_16 to %scan3A_18 step %scan3A_19 iter_args(%scan3A_25 = %scan3A, %scan3A_26 = %scan3A_15) -> (i32, i32)  : i32 {
        %mul3A_27 = arith.constant 16 : i32
        %mul3A_28 = arith.muli %scan3A_24, %mul3A_27 : i32
        %get3A_29 = arith.index_cast %mul3A_28 : i32 to index
        %get3A_30 = tpu.vector_load %arg6[%get3A_29] {strides = array<i32>} : memref<8192xf32, #tpu.memory_space<vmem>>, vector<16xf32>,
        %gt3A = arith.cmpf ogt, %get3A_30, %get3A_9 : vector<16xf32>
        %eq3A = arith.cmpf oeq, %get3A_30, %get3A_9 : vector<16xf32>
        %select_n3A = arith.select %eq3A, %broadcast_in_dim3A_14, %broadcast_in_dim3A_12 : vector<16xi1>, vector<16xi32>
        %broadcast_in_dim3A_31 = arith.constant true
        %broadcast_in_dim3A_32 = vector.broadcast %broadcast_in_dim3A_31 : i1 to vector<16xi1>
        %masked_cumsum3A = tpu.scan <sum>, %select_n3A masked %broadcast_in_dim3A_32 : vector<16xi32>, vector<16xi1> -> vector<16xi32>
        %broadcast_in_dim3A_33 = vector.broadcast %scan3A_25 : i32 to vector<16xi32>
        %sub3A = arith.subi %masked_cumsum3A, %select_n3A : vector<16xi32>
        %add3A_34 = arith.addi %sub3A, %broadcast_in_dim3A_33 : vector<16xi32>
        %lt3A_35 = arith.cmpi slt, %add3A_34, %get3A_11 : vector<16xi32>
        %and3A = arith.andi %eq3A, %lt3A_35 : vector<16xi1>
        %or3A = arith.ori %gt3A, %and3A : vector<16xi1>
        %iota3A = tpu.iota {dimensions = array<i32: 0>} : vector<16xi32>
        %mul3A_36 = arith.constant 16 : i32
        %mul3A_37 = arith.muli %scan3A_24, %mul3A_36 : i32
        %broadcast_in_dim3A_38 = vector.broadcast %mul3A_37 : i32 to vector<16xi32>
        %add3A_39 = arith.addi %iota3A, %broadcast_in_dim3A_38 : vector<16xi32>
        %swap3A = arith.index_cast %scan3A_26 : i32 to index
        %swap3A_40 = tpu.vector_load %arg7[%swap3A] masked %or3A {strides = array<i32>} : memref<4112xi32, #tpu.memory_space<vmem>>, vector<16xi32>, vector<16xi1>
        tpu.vector_store %arg7[%swap3A], %add3A_39 masked %or3A {strides = array<i32>} : memref<4112xi32, #tpu.memory_space<vmem>>, vector<16xi32>, vector<16xi1>
        %select_n3A_41 = arith.select %or3A, %broadcast_in_dim3A_14, %broadcast_in_dim3A_12 : vector<16xi1>, vector<16xi32>
        %reduce_sum3A = arith.constant true
        %reduce_sum3A_42 = vector.broadcast %reduce_sum3A : i1 to vector<16xi1>
        %reduce_sum3A_43 = tpu.scan <sum>, %select_n3A_41 masked %reduce_sum3A_42 : vector<16xi32>, vector<16xi1> -> vector<16xi32>
        %reduce_sum3A_44 = vector.extract %reduce_sum3A_43[15] : i32 from vector<16xi32>
        %reduce_sum3A_45 = arith.constant true
        %reduce_sum3A_46 = vector.broadcast %reduce_sum3A_45 : i1 to vector<16xi1>
        %reduce_sum3A_47 = tpu.scan <sum>, %select_n3A masked %reduce_sum3A_46 : vector<16xi32>, vector<16xi1> -> vector<16xi32>
        %reduce_sum3A_48 = vector.extract %reduce_sum3A_47[15] : i32 from vector<16xi32>
        %add3A_49 = arith.addi %scan3A_25, %reduce_sum3A_48 : i32
        %add3A_50 = arith.addi %scan3A_26, %reduce_sum3A_44 : i32
        scf.yield %add3A_49, %add3A_50 : i32, i32
      }
      %scan3A_21 = arith.constant 512 : i32
      %mul3A_22 = arith.constant 4096 : i32
      %mul3A_23 = arith.muli %add3A, %mul3A_22 : i32
      "tpu.region"() ({
        %run_scoped3A = tpu.sem_alloc : memref<!tpu.dma_semaphore, #tpu.memory_space<semaphore_mem>>
        %dma_start3A = arith.constant 0 : i32
        %dma_start3A_24 = tpu.memref_slice %arg7[%dma_start3A] : memref<4112xi32, #tpu.memory_space<vmem>> -> memref<4096xi32, #tpu.memory_space<vmem>>
        %dma_start3A_25 = tpu.memref_slice %arg5[%mul3A_23] : memref<16384xi32, #tpu.memory_space<hbm>> -> memref<4096xi32, #tpu.memory_space<hbm>>
        %dma_start3A_26 = tpu.memref_slice %arg5[%mul3A_23] : memref<16384xi32, #tpu.memory_space<hbm>> -> memref<4096xi32, #tpu.memory_space<hbm>>
        %dma_start3A_27 = arith.constant 0 : i32
        %dma_start3A_28 = tpu.memref_slice %arg7[%dma_start3A_27] : memref<4112xi32, #tpu.memory_space<vmem>> -> memref<4096xi32, #tpu.memory_space<vmem>>
        tpu.enqueue_dma source(%dma_start3A_28 : memref<4096xi32, #tpu.memory_space<vmem>>) target(%dma_start3A_26 : memref<4096xi32, #tpu.memory_space<hbm>>) target_semaphore(%run_scoped3A : memref<!tpu.dma_semaphore, #tpu.memory_space<semaphore_mem>>)
        %dma_wait3A = arith.constant 0 : i32
        %dma_wait3A_29 = tpu.memref_slice %arg7[%dma_wait3A] : memref<4112xi32, #tpu.memory_space<vmem>> -> memref<4096xi32, #tpu.memory_space<vmem>>
        %dma_wait3A_30 = tpu.memref_slice %arg5[%mul3A_23] : memref<16384xi32, #tpu.memory_space<hbm>> -> memref<4096xi32, #tpu.memory_space<hbm>>
        %dma_wait3A_31 = tpu.memref_slice %arg5[%mul3A_23] : memref<16384xi32, #tpu.memory_space<hbm>> -> memref<4096xi32, #tpu.memory_space<hbm>>
        %dma_wait3A_32 = arith.constant 0 : i32
        %dma_wait3A_33 = tpu.memref_slice %arg7[%dma_wait3A_32] : memref<4112xi32, #tpu.memory_space<vmem>> -> memref<4096xi32, #tpu.memory_space<vmem>>
        tpu.wait_dma2 semaphore(%run_scoped3A : memref<!tpu.dma_semaphore, #tpu.memory_space<semaphore_mem>>) src(%dma_wait3A_33 : memref<4096xi32, #tpu.memory_space<vmem>>) dst(%dma_wait3A_31 : memref<4096xi32, #tpu.memory_space<hbm>>)
        tpu.yield
      }) : () -> ()
    } else {
    }
    return
  }
}

module attributes {stable_mosaic.version = 14 : i64} {
  func.func @_update_body(%arg0: i32, %arg1: memref<2048x768xf32, #tpu.memory_space<vmem>>, %arg2: memref<1x768xf32, #tpu.memory_space<vmem>>, %arg3: memref<1x1x16xf32, #tpu.memory_space<vmem>>, %arg4: memref<768x768xbf16, #tpu.memory_space<vmem>>, %arg5: memref<2048x768xf32, #tpu.memory_space<vmem>>) attributes {dimension_semantics = [#tpu.dimension_semantics<arbitrary>], iteration_bounds = array<i64: 16>, scalar_prefetch = 0 : i64, scratch_operands = 0 : i64, tpu.core_type = #tpu.core_type<tc>, window_params = [{transform_indices = @transform_0, window_bounds = array<i64: 2048, 768>}, {pipeline_mode = #tpu.pipeline_mode<synchronous>, transform_indices = @transform_1, window_bounds = array<i64: 1, 768>}, {transform_indices = @transform_2, window_bounds = array<i64: 1, 1, 16>}, {pipeline_mode = #tpu.pipeline_mode<synchronous>, transform_indices = @transform_3, window_bounds = array<i64: 768, 768>}, {transform_indices = @transform_4, window_bounds = array<i64: 2048, 768>}]} {
    %get3A = arith.constant 0 : index
    %get3A_0 = arith.constant 0 : index
    %get3A_1 = vector.load %arg1[%get3A, %get3A_0] : memref<2048x768xf32, #tpu.memory_space<vmem>>, vector<2048x768xf32>
    %get3A_2 = arith.constant 0 : index
    %get3A_3 = arith.constant 0 : index
    %get3A_4 = vector.load %arg2[%get3A_2, %get3A_3] : memref<1x768xf32, #tpu.memory_space<vmem>>, vector<1x768xf32>
    %dot_general3A = arith.constant dense<0.000000e+00> : vector<2048x1xf32>
    %dot_general3A_5 = tpu.matmul %get3A_1, %get3A_4, %dot_general3A {dimension_numbers = #tpu.dot_dimension_numbers<[1], [1], [0], [0], [0, 0, 1, 0], [], []>, transpose_lhs_hint = false} : vector<2048x768xf32>, vector<1x768xf32>, vector<2048x1xf32> -> vector<2048x1xf32>
    %neg3A = arith.constant 0.000000e+00 : f32
    %neg3A_6 = vector.broadcast %neg3A : f32 to vector<2048x1xf32>
    %neg3A_7 = arith.subf %neg3A_6, %dot_general3A_5 : vector<2048x1xf32>
    %exp3A = math.exp %neg3A_7 : vector<2048x1xf32>
    %add3A = arith.constant 1.000000e+00 : f32
    %add3A_8 = vector.broadcast %add3A : f32 to vector<2048x1xf32>
    %add3A_9 = arith.addf %add3A_8, %exp3A : vector<2048x1xf32>
    %div3A = arith.constant 1.000000e-01 : f32
    %div3A_10 = vector.broadcast %div3A : f32 to vector<2048x1xf32>
    %div3A_11 = arith.divf %div3A_10, %add3A_9 : vector<2048x1xf32>
    %get3A_12 = arith.constant 0 : index
    %get3A_13 = arith.constant 0 : index
    %get3A_14 = arith.constant 0 : index
    %get3A_15 = vector.load %arg3[%get3A_12, %get3A_13, %get3A_14] : memref<1x1x16xf32, #tpu.memory_space<vmem>>, vector<1x1x1xf32>
    %get3A_16 = vector.extract %get3A_15[0, 0, 0] : f32 from vector<1x1x1xf32>
    %ge3A = vector.broadcast %get3A_16 : f32 to vector<2048x1xf32>
    %ge3A_17 = arith.cmpf oge, %div3A_11, %ge3A : vector<2048x1xf32>
    %jit3A = arith.constant 0.000000e+00 : f32
    %broadcast_in_dim3A = vector.broadcast %jit3A : f32 to vector<2048x1xf32>
    %select_n3A = arith.select %ge3A_17, %div3A_11, %broadcast_in_dim3A : vector<2048x1xi1>, vector<2048x1xf32>
    %convert_element_type3A = arith.truncf %get3A_1 : vector<2048x768xf32> to vector<2048x768xbf16>
    %get3A_18 = arith.constant 0 : index
    %get3A_19 = arith.constant 0 : index
    %get3A_20 = vector.load %arg4[%get3A_18, %get3A_19] : memref<768x768xbf16, #tpu.memory_space<vmem>>, vector<768x768xbf16>
    %dot_general3A_21 = arith.constant dense<0.000000e+00> : vector<2048x768xf32>
    %dot_general3A_22 = tpu.matmul %convert_element_type3A, %get3A_20, %dot_general3A_21 {dimension_numbers = #tpu.dot_dimension_numbers<[1], [0], [0], [1], [0, 0, 1, 1], [], []>, transpose_lhs_hint = false} : vector<2048x768xbf16>, vector<768x768xbf16>, vector<2048x768xf32> -> vector<2048x768xf32>
    %mul3A = vector.broadcast %select_n3A : vector<2048x1xf32> to vector<2048x768xf32>
    %mul3A_23 = arith.mulf %mul3A, %dot_general3A_22 : vector<2048x768xf32>
    %add3A_24 = arith.addf %get3A_1, %mul3A_23 : vector<2048x768xf32>
    %swap3A = arith.constant 0 : index
    %swap3A_25 = arith.constant 0 : index
    %swap3A_26 = vector.load %arg5[%swap3A, %swap3A_25] : memref<2048x768xf32, #tpu.memory_space<vmem>>, vector<2048x768xf32>
    tpu.vector_store %arg5[%swap3A, %swap3A_25], %add3A_24 {strides = array<i32>} : memref<2048x768xf32, #tpu.memory_space<vmem>>, vector<2048x768xf32>,
    return
  }
  func.func @transform_0(%arg0: i32) -> (i32, i32) {
    %c0_i32 = arith.constant 0 : i32
    %c0_i32_0 = arith.constant 0 : i32
    return %arg0, %c0_i32 : i32, i32
  }
  func.func @transform_1(%arg0: i32) -> (i32, i32) {
    %c0_i32 = arith.constant 0 : i32
    %c0_i32_0 = arith.constant 0 : i32
    %c0_i32_1 = arith.constant 0 : i32
    return %c0_i32, %c0_i32_0 : i32, i32
  }
  func.func @transform_2(%arg0: i32) -> (i32, i32, i32) {
    %jit3A = arith.constant 4 : i32
    %div3A = arith.divsi %arg0, %jit3A : i32
    %sign3A = arith.constant 0 : i32
    %sign3A_0 = arith.cmpi sgt, %arg0, %sign3A : i32
    %sign3A_1 = arith.extui %sign3A_0 : i1 to i32
    %sign3A_2 = arith.constant 0 : i32
    %sign3A_3 = arith.cmpi slt, %arg0, %sign3A_2 : i32
    %sign3A_4 = arith.extui %sign3A_3 : i1 to i32
    %sign3A_5 = arith.subi %sign3A_1, %sign3A_4 : i32
    %sign3A_6 = arith.constant 0 : i32
    %sign3A_7 = arith.cmpi sgt, %jit3A, %sign3A_6 : i32
    %sign3A_8 = arith.extui %sign3A_7 : i1 to i32
    %sign3A_9 = arith.constant 0 : i32
    %sign3A_10 = arith.cmpi slt, %jit3A, %sign3A_9 : i32
    %sign3A_11 = arith.extui %sign3A_10 : i1 to i32
    %sign3A_12 = arith.subi %sign3A_8, %sign3A_11 : i32
    %ne3A = arith.cmpi ne, %sign3A_5, %sign3A_12 : i32
    %rem3A = arith.remsi %arg0, %jit3A : i32
    %ne3A_13 = arith.constant 0 : i32
    %ne3A_14 = arith.cmpi ne, %rem3A, %ne3A_13 : i32
    %and3A = arith.andi %ne3A, %ne3A_14 : i1
    %sub3A = arith.constant 1 : i32
    %sub3A_15 = arith.subi %div3A, %sub3A : i32
    %select_n3A = arith.select %and3A, %sub3A_15, %div3A : i32
    %c0_i32 = arith.constant 0 : i32
    %c0_i32_16 = arith.constant 0 : i32
    %c0_i32_17 = arith.constant 0 : i32
    return %select_n3A, %c0_i32, %c0_i32_16 : i32, i32, i32
  }
  func.func @transform_3(%arg0: i32) -> (i32, i32) {
    %c0_i32 = arith.constant 0 : i32
    %c0_i32_0 = arith.constant 0 : i32
    %c0_i32_1 = arith.constant 0 : i32
    return %c0_i32, %c0_i32_0 : i32, i32
  }
  func.func @transform_4(%arg0: i32) -> (i32, i32) {
    %c0_i32 = arith.constant 0 : i32
    %c0_i32_0 = arith.constant 0 : i32
    return %arg0, %c0_i32 : i32, i32
  }
}

module attributes {stable_mosaic.version = 14 : i64} {
  func.func @_router_threshold_body(%arg0: i32, %arg1: memref<4096x768xf32, #tpu.memory_space<vmem>>, %arg2: memref<1x768xf32, #tpu.memory_space<vmem>>, %arg3: memref<1x1x4096xf32, #tpu.memory_space<vmem>>, %arg4: memref<4x16xf32, #tpu.memory_space<vmem>>, %arg5: memref<4x16xi32, #tpu.memory_space<vmem>>, %arg6: memref<1x1xf32, #tpu.memory_space<vmem>>, %arg7: memref<8x1x4096xf32, #tpu.memory_space<vmem>>, %arg8: memref<8x1x4096xf32, #tpu.memory_space<vmem>>) attributes {dimension_semantics = [#tpu.dimension_semantics<arbitrary>], iteration_bounds = array<i64: 8>, scalar_prefetch = 0 : i64, scratch_operands = 2 : i64, tpu.core_type = #tpu.core_type<tc>, window_params = [{transform_indices = @transform_0, window_bounds = array<i64: 4096, 768>}, {pipeline_mode = #tpu.pipeline_mode<synchronous>, transform_indices = @transform_1, window_bounds = array<i64: 1, 768>}, {transform_indices = @transform_2, window_bounds = array<i64: 1, 1, 4096>}, {pipeline_mode = #tpu.pipeline_mode<synchronous>, transform_indices = @transform_3, window_bounds = array<i64: 4, 16>}, {pipeline_mode = #tpu.pipeline_mode<synchronous>, transform_indices = @transform_4, window_bounds = array<i64: 4, 16>}, {pipeline_mode = #tpu.pipeline_mode<synchronous>, transform_indices = @transform_5, window_bounds = array<i64: 1, 1>}]} {
    %get3A = arith.constant 0 : index
    %get3A_0 = arith.constant 0 : index
    %get3A_1 = vector.load %arg1[%get3A, %get3A_0] : memref<4096x768xf32, #tpu.memory_space<vmem>>, vector<4096x768xf32>
    %get3A_2 = arith.constant 0 : index
    %get3A_3 = arith.constant 0 : index
    %get3A_4 = vector.load %arg2[%get3A_2, %get3A_3] : memref<1x768xf32, #tpu.memory_space<vmem>>, vector<1x768xf32>
    %dot_general3A = arith.constant dense<0.000000e+00> : vector<1x4096xf32>
    %dot_general3A_5 = tpu.matmul %get3A_4, %get3A_1, %dot_general3A {dimension_numbers = #tpu.dot_dimension_numbers<[1], [1], [0], [0], [0, 0, 1, 0], [], []>, transpose_lhs_hint = false} : vector<1x768xf32>, vector<4096x768xf32>, vector<1x4096xf32> -> vector<1x4096xf32>
    %neg3A = arith.constant 0.000000e+00 : f32
    %neg3A_6 = vector.broadcast %neg3A : f32 to vector<1x4096xf32>
    %neg3A_7 = arith.subf %neg3A_6, %dot_general3A_5 : vector<1x4096xf32>
    %exp3A = math.exp %neg3A_7 : vector<1x4096xf32>
    %add3A = arith.constant 1.000000e+00 : f32
    %add3A_8 = vector.broadcast %add3A : f32 to vector<1x4096xf32>
    %add3A_9 = arith.addf %add3A_8, %exp3A : vector<1x4096xf32>
    %div3A = arith.constant 1.000000e-01 : f32
    %div3A_10 = vector.broadcast %div3A : f32 to vector<1x4096xf32>
    %div3A_11 = arith.divf %div3A_10, %add3A_9 : vector<1x4096xf32>
    %broadcast_in_dim3A = vector.shape_cast %div3A_11 : vector<1x4096xf32> to vector<1x1x4096xf32>
    %swap3A = arith.constant 0 : index
    %swap3A_12 = arith.constant 0 : index
    %swap3A_13 = arith.constant 0 : index
    %swap3A_14 = vector.load %arg3[%swap3A, %swap3A_12, %swap3A_13] : memref<1x1x4096xf32, #tpu.memory_space<vmem>>, vector<1x1x4096xf32>
    tpu.vector_store %arg3[%swap3A, %swap3A_12, %swap3A_13], %broadcast_in_dim3A {strides = array<i32>} : memref<1x1x4096xf32, #tpu.memory_space<vmem>>, vector<1x1x4096xf32>,
    %broadcast_in_dim3A_15 = vector.shape_cast %div3A_11 : vector<1x4096xf32> to vector<1x1x4096xf32>
    %swap3A_16 = arith.index_cast %arg0 : i32 to index
    %swap3A_17 = arith.constant 0 : index
    %swap3A_18 = arith.constant 0 : index
    %swap3A_19 = vector.load %arg7[%swap3A_16, %swap3A_17, %swap3A_18] : memref<8x1x4096xf32, #tpu.memory_space<vmem>>, vector<1x1x4096xf32>
    tpu.vector_store %arg7[%swap3A_16, %swap3A_17, %swap3A_18], %broadcast_in_dim3A_15 {strides = array<i32>} : memref<8x1x4096xf32, #tpu.memory_space<vmem>>, vector<1x1x4096xf32>,
    %broadcast_in_dim3A_20 = vector.shape_cast %dot_general3A_5 : vector<1x4096xf32> to vector<1x1x4096xf32>
    %swap3A_21 = arith.index_cast %arg0 : i32 to index
    %swap3A_22 = arith.constant 0 : index
    %swap3A_23 = arith.constant 0 : index
    %swap3A_24 = vector.load %arg8[%swap3A_21, %swap3A_22, %swap3A_23] : memref<8x1x4096xf32, #tpu.memory_space<vmem>>, vector<1x1x4096xf32>
    tpu.vector_store %arg8[%swap3A_21, %swap3A_22, %swap3A_23], %broadcast_in_dim3A_20 {strides = array<i32>} : memref<8x1x4096xf32, #tpu.memory_space<vmem>>, vector<1x1x4096xf32>,
    %eq3A = arith.constant 7 : i32
    %eq3A_25 = arith.cmpi eq, %arg0, %eq3A : i32
    %convert_element_type3A = arith.extui %eq3A_25 : i1 to i32
    %cond3A = arith.constant 0 : i32
    %cond3A_26 = arith.cmpi ne, %convert_element_type3A, %cond3A : i32
    scf.if %cond3A_26 {
      %get3A_27 = arith.constant 0 : index
      %get3A_28 = arith.constant 0 : index
      %get3A_29 = arith.constant 0 : index
      %get3A_30 = vector.load %arg7[%get3A_27, %get3A_28, %get3A_29] : memref<8x1x4096xf32, #tpu.memory_space<vmem>>, vector<8x1x4096xf32>
      %get3A_31 = arith.constant 0 : index
      %get3A_32 = arith.constant 0 : index
      %get3A_33 = arith.constant 0 : index
      %get3A_34 = vector.load %arg8[%get3A_31, %get3A_32, %get3A_33] : memref<8x1x4096xf32, #tpu.memory_space<vmem>>, vector<8x1x4096xf32>
      %slice3A = vector.extract_strided_slice %get3A_30 {offsets = [0, 0, 0], sizes = [2, 1, 4096], strides = [1, 1, 1]} : vector<8x1x4096xf32> to vector<2x1x4096xf32>
      %slice3A_35 = vector.extract_strided_slice %get3A_30 {offsets = [2, 0, 0], sizes = [2, 1, 4096], strides = [1, 1, 1]} : vector<8x1x4096xf32> to vector<2x1x4096xf32>
      %slice3A_36 = vector.extract_strided_slice %get3A_30 {offsets = [4, 0, 0], sizes = [2, 1, 4096], strides = [1, 1, 1]} : vector<8x1x4096xf32> to vector<2x1x4096xf32>
      %slice3A_37 = vector.extract_strided_slice %get3A_30 {offsets = [6, 0, 0], sizes = [2, 1, 4096], strides = [1, 1, 1]} : vector<8x1x4096xf32> to vector<2x1x4096xf32>
      %scan3A = arith.constant 0 : i32
      %scan3A_38 = arith.constant 0 : i32
      %scan3A_39 = arith.constant 0 : i32
      %scan3A_40 = arith.constant 0 : i32
      %scan3A_41 = arith.constant 2139095040 : i32
      %scan3A_42 = arith.constant 2139095040 : i32
      %scan3A_43 = arith.constant 2139095040 : i32
      %scan3A_44 = arith.constant 2139095040 : i32
      %scan3A_45 = arith.constant 0 : i32
      %scan3A_46 = arith.constant 31 : i32
      %scan3A_47 = arith.addi %scan3A_45, %scan3A_46 : i32
      %scan3A_48 = arith.constant 1 : i32
      %scan3A_49:8 = scf.for %scan3A_179 = %scan3A_45 to %scan3A_47 step %scan3A_48 iter_args(%scan3A_180 = %scan3A, %scan3A_181 = %scan3A_38, %scan3A_182 = %scan3A_39, %scan3A_183 = %scan3A_40, %scan3A_184 = %scan3A_41, %scan3A_185 = %scan3A_42, %scan3A_186 = %scan3A_43, %scan3A_187 = %scan3A_44) -> (i32, i32, i32, i32, i32, i32, i32, i32)  : i32 {
        %sub3A_188 = arith.subi %scan3A_184, %scan3A_180 : i32
        %shift_right_logical3A = arith.constant 1 : i32
        %shift_right_logical3A_189 = arith.shrui %sub3A_188, %shift_right_logical3A : i32
        %add3A_190 = arith.addi %scan3A_180, %shift_right_logical3A_189 : i32
        %bitcast_convert_type3A_191 = arith.bitcast %add3A_190 : i32 to f32
        %ge3A = vector.broadcast %bitcast_convert_type3A_191 : f32 to vector<2x1x4096xf32>
        %ge3A_192 = arith.cmpf oge, %slice3A, %ge3A : vector<2x1x4096xf32>
        %convert_element_type3A_193 = arith.extui %ge3A_192 : vector<2x1x4096xi1> to vector<2x1x4096xi32>
        %reduce_sum3A_194 = vector.shape_cast %convert_element_type3A_193 : vector<2x1x4096xi32> to vector<1x2x1x4096xi32>
        %reduce_sum3A_195 = arith.constant dense<0> : vector<1xi32>
        %reduce_sum3A_196 = vector.multi_reduction <add>, %reduce_sum3A_194, %reduce_sum3A_195 [1, 2, 3] : vector<1x2x1x4096xi32> to vector<1xi32>
        %reduce_sum3A_197 = vector.shape_cast %reduce_sum3A_196 : vector<1xi32> to vector<1x1x1x1xi32>
        %reduce_sum3A_198 = vector.extract %reduce_sum3A_197[0, 0, 0, 0] : i32 from vector<1x1x1x1xi32>
        %ge3A_199 = arith.constant 4096 : i32
        %ge3A_200 = arith.cmpi sge, %reduce_sum3A_198, %ge3A_199 : i32
        %select_n3A = arith.select %ge3A_200, %add3A_190, %scan3A_180 : i32
        %select_n3A_201 = arith.select %ge3A_200, %scan3A_184, %add3A_190 : i32
        %sub3A_202 = arith.subi %scan3A_185, %scan3A_181 : i32
        %shift_right_logical3A_203 = arith.constant 1 : i32
        %shift_right_logical3A_204 = arith.shrui %sub3A_202, %shift_right_logical3A_203 : i32
        %add3A_205 = arith.addi %scan3A_181, %shift_right_logical3A_204 : i32
        %bitcast_convert_type3A_206 = arith.bitcast %add3A_205 : i32 to f32
        %ge3A_207 = vector.broadcast %bitcast_convert_type3A_206 : f32 to vector<2x1x4096xf32>
        %ge3A_208 = arith.cmpf oge, %slice3A_35, %ge3A_207 : vector<2x1x4096xf32>
        %convert_element_type3A_209 = arith.extui %ge3A_208 : vector<2x1x4096xi1> to vector<2x1x4096xi32>
        %reduce_sum3A_210 = vector.shape_cast %convert_element_type3A_209 : vector<2x1x4096xi32> to vector<1x2x1x4096xi32>
        %reduce_sum3A_211 = arith.constant dense<0> : vector<1xi32>
        %reduce_sum3A_212 = vector.multi_reduction <add>, %reduce_sum3A_210, %reduce_sum3A_211 [1, 2, 3] : vector<1x2x1x4096xi32> to vector<1xi32>
        %reduce_sum3A_213 = vector.shape_cast %reduce_sum3A_212 : vector<1xi32> to vector<1x1x1x1xi32>
        %reduce_sum3A_214 = vector.extract %reduce_sum3A_213[0, 0, 0, 0] : i32 from vector<1x1x1x1xi32>
        %ge3A_215 = arith.constant 4096 : i32
        %ge3A_216 = arith.cmpi sge, %reduce_sum3A_214, %ge3A_215 : i32
        %select_n3A_217 = arith.select %ge3A_216, %add3A_205, %scan3A_181 : i32
        %select_n3A_218 = arith.select %ge3A_216, %scan3A_185, %add3A_205 : i32
        %sub3A_219 = arith.subi %scan3A_186, %scan3A_182 : i32
        %shift_right_logical3A_220 = arith.constant 1 : i32
        %shift_right_logical3A_221 = arith.shrui %sub3A_219, %shift_right_logical3A_220 : i32
        %add3A_222 = arith.addi %scan3A_182, %shift_right_logical3A_221 : i32
        %bitcast_convert_type3A_223 = arith.bitcast %add3A_222 : i32 to f32
        %ge3A_224 = vector.broadcast %bitcast_convert_type3A_223 : f32 to vector<2x1x4096xf32>
        %ge3A_225 = arith.cmpf oge, %slice3A_36, %ge3A_224 : vector<2x1x4096xf32>
        %convert_element_type3A_226 = arith.extui %ge3A_225 : vector<2x1x4096xi1> to vector<2x1x4096xi32>
        %reduce_sum3A_227 = vector.shape_cast %convert_element_type3A_226 : vector<2x1x4096xi32> to vector<1x2x1x4096xi32>
        %reduce_sum3A_228 = arith.constant dense<0> : vector<1xi32>
        %reduce_sum3A_229 = vector.multi_reduction <add>, %reduce_sum3A_227, %reduce_sum3A_228 [1, 2, 3] : vector<1x2x1x4096xi32> to vector<1xi32>
        %reduce_sum3A_230 = vector.shape_cast %reduce_sum3A_229 : vector<1xi32> to vector<1x1x1x1xi32>
        %reduce_sum3A_231 = vector.extract %reduce_sum3A_230[0, 0, 0, 0] : i32 from vector<1x1x1x1xi32>
        %ge3A_232 = arith.constant 4096 : i32
        %ge3A_233 = arith.cmpi sge, %reduce_sum3A_231, %ge3A_232 : i32
        %select_n3A_234 = arith.select %ge3A_233, %add3A_222, %scan3A_182 : i32
        %select_n3A_235 = arith.select %ge3A_233, %scan3A_186, %add3A_222 : i32
        %sub3A_236 = arith.subi %scan3A_187, %scan3A_183 : i32
        %shift_right_logical3A_237 = arith.constant 1 : i32
        %shift_right_logical3A_238 = arith.shrui %sub3A_236, %shift_right_logical3A_237 : i32
        %add3A_239 = arith.addi %scan3A_183, %shift_right_logical3A_238 : i32
        %bitcast_convert_type3A_240 = arith.bitcast %add3A_239 : i32 to f32
        %ge3A_241 = vector.broadcast %bitcast_convert_type3A_240 : f32 to vector<2x1x4096xf32>
        %ge3A_242 = arith.cmpf oge, %slice3A_37, %ge3A_241 : vector<2x1x4096xf32>
        %convert_element_type3A_243 = arith.extui %ge3A_242 : vector<2x1x4096xi1> to vector<2x1x4096xi32>
        %reduce_sum3A_244 = vector.shape_cast %convert_element_type3A_243 : vector<2x1x4096xi32> to vector<1x2x1x4096xi32>
        %reduce_sum3A_245 = arith.constant dense<0> : vector<1xi32>
        %reduce_sum3A_246 = vector.multi_reduction <add>, %reduce_sum3A_244, %reduce_sum3A_245 [1, 2, 3] : vector<1x2x1x4096xi32> to vector<1xi32>
        %reduce_sum3A_247 = vector.shape_cast %reduce_sum3A_246 : vector<1xi32> to vector<1x1x1x1xi32>
        %reduce_sum3A_248 = vector.extract %reduce_sum3A_247[0, 0, 0, 0] : i32 from vector<1x1x1x1xi32>
        %ge3A_249 = arith.constant 4096 : i32
        %ge3A_250 = arith.cmpi sge, %reduce_sum3A_248, %ge3A_249 : i32
        %select_n3A_251 = arith.select %ge3A_250, %add3A_239, %scan3A_183 : i32
        %select_n3A_252 = arith.select %ge3A_250, %scan3A_187, %add3A_239 : i32
        scf.yield %select_n3A, %select_n3A_217, %select_n3A_234, %select_n3A_251, %select_n3A_201, %select_n3A_218, %select_n3A_235, %select_n3A_252 : i32, i32, i32, i32, i32, i32, i32, i32
      }
      %bitcast_convert_type3A = arith.bitcast %scan3A_49#0 : i32 to f32
      %gt3A = vector.broadcast %bitcast_convert_type3A : f32 to vector<2x1x4096xf32>
      %gt3A_50 = arith.cmpf ogt, %slice3A, %gt3A : vector<2x1x4096xf32>
      %convert_element_type3A_51 = arith.extui %gt3A_50 : vector<2x1x4096xi1> to vector<2x1x4096xi32>
      %reduce_sum3A = vector.shape_cast %convert_element_type3A_51 : vector<2x1x4096xi32> to vector<1x2x1x4096xi32>
      %reduce_sum3A_52 = arith.constant dense<0> : vector<1xi32>
      %reduce_sum3A_53 = vector.multi_reduction <add>, %reduce_sum3A, %reduce_sum3A_52 [1, 2, 3] : vector<1x2x1x4096xi32> to vector<1xi32>
      %reduce_sum3A_54 = vector.shape_cast %reduce_sum3A_53 : vector<1xi32> to vector<1x1x1x1xi32>
      %reduce_sum3A_55 = vector.extract %reduce_sum3A_54[0, 0, 0, 0] : i32 from vector<1x1x1x1xi32>
      %broadcast_in_dim3A_56 = vector.broadcast %bitcast_convert_type3A : f32 to vector<1x16xf32>
      %sub3A = arith.constant 4096 : i32
      %sub3A_57 = arith.subi %sub3A, %reduce_sum3A_55 : i32
      %broadcast_in_dim3A_58 = vector.broadcast %sub3A_57 : i32 to vector<1x16xi32>
      %slice3A_59 = vector.extract_strided_slice %get3A_34 {offsets = [0, 0, 0], sizes = [2, 1, 4096], strides = [1, 1, 1]} : vector<8x1x4096xf32> to vector<2x1x4096xf32>
      %reduce_max3A = vector.shape_cast %slice3A_59 : vector<2x1x4096xf32> to vector<1x2x1x4096xf32>
      %reduce_max3A_60 = arith.constant dense<0xFF800000> : vector<1xf32>
      %reduce_max3A_61 = vector.multi_reduction <maximumf>, %reduce_max3A, %reduce_max3A_60 [1, 2, 3] : vector<1x2x1x4096xf32> to vector<1xf32>
      %reduce_max3A_62 = vector.shape_cast %reduce_max3A_61 : vector<1xf32> to vector<1x1x1x1xf32>
      %reduce_max3A_63 = vector.extract %reduce_max3A_62[0, 0, 0, 0] : f32 from vector<1x1x1x1xf32>
      %sub3A_64 = vector.broadcast %reduce_max3A_63 : f32 to vector<2x1x4096xf32>
      %sub3A_65 = arith.subf %slice3A_59, %sub3A_64 : vector<2x1x4096xf32>
      %exp3A_66 = math.exp %sub3A_65 : vector<2x1x4096xf32>
      %reduce_sum3A_67 = vector.shape_cast %exp3A_66 : vector<2x1x4096xf32> to vector<1x2x1x4096xf32>
      %reduce_sum3A_68 = arith.constant dense<0.000000e+00> : vector<1xf32>
      %reduce_sum3A_69 = vector.multi_reduction <add>, %reduce_sum3A_67, %reduce_sum3A_68 [1, 2, 3] : vector<1x2x1x4096xf32> to vector<1xf32>
      %reduce_sum3A_70 = vector.shape_cast %reduce_sum3A_69 : vector<1xf32> to vector<1x1x1x1xf32>
      %reduce_sum3A_71 = vector.extract %reduce_sum3A_70[0, 0, 0, 0] : f32 from vector<1x1x1x1xf32>
      %log3A = math.log %reduce_sum3A_71 : f32
      %add3A_72 = arith.addf %log3A, %reduce_max3A_63 : f32
      %mul3A = arith.mulf %add3A_72, %add3A_72 : f32
      %bitcast_convert_type3A_73 = arith.bitcast %scan3A_49#1 : i32 to f32
      %gt3A_74 = vector.broadcast %bitcast_convert_type3A_73 : f32 to vector<2x1x4096xf32>
      %gt3A_75 = arith.cmpf ogt, %slice3A_35, %gt3A_74 : vector<2x1x4096xf32>
      %convert_element_type3A_76 = arith.extui %gt3A_75 : vector<2x1x4096xi1> to vector<2x1x4096xi32>
      %reduce_sum3A_77 = vector.shape_cast %convert_element_type3A_76 : vector<2x1x4096xi32> to vector<1x2x1x4096xi32>
      %reduce_sum3A_78 = arith.constant dense<0> : vector<1xi32>
      %reduce_sum3A_79 = vector.multi_reduction <add>, %reduce_sum3A_77, %reduce_sum3A_78 [1, 2, 3] : vector<1x2x1x4096xi32> to vector<1xi32>
      %reduce_sum3A_80 = vector.shape_cast %reduce_sum3A_79 : vector<1xi32> to vector<1x1x1x1xi32>
      %reduce_sum3A_81 = vector.extract %reduce_sum3A_80[0, 0, 0, 0] : i32 from vector<1x1x1x1xi32>
      %broadcast_in_dim3A_82 = vector.broadcast %bitcast_convert_type3A_73 : f32 to vector<1x16xf32>
      %sub3A_83 = arith.constant 4096 : i32
      %sub3A_84 = arith.subi %sub3A_83, %reduce_sum3A_81 : i32
      %broadcast_in_dim3A_85 = vector.broadcast %sub3A_84 : i32 to vector<1x16xi32>
      %slice3A_86 = vector.extract_strided_slice %get3A_34 {offsets = [2, 0, 0], sizes = [2, 1, 4096], strides = [1, 1, 1]} : vector<8x1x4096xf32> to vector<2x1x4096xf32>
      %reduce_max3A_87 = vector.shape_cast %slice3A_86 : vector<2x1x4096xf32> to vector<1x2x1x4096xf32>
      %reduce_max3A_88 = arith.constant dense<0xFF800000> : vector<1xf32>
      %reduce_max3A_89 = vector.multi_reduction <maximumf>, %reduce_max3A_87, %reduce_max3A_88 [1, 2, 3] : vector<1x2x1x4096xf32> to vector<1xf32>
      %reduce_max3A_90 = vector.shape_cast %reduce_max3A_89 : vector<1xf32> to vector<1x1x1x1xf32>
      %reduce_max3A_91 = vector.extract %reduce_max3A_90[0, 0, 0, 0] : f32 from vector<1x1x1x1xf32>
      %sub3A_92 = vector.broadcast %reduce_max3A_91 : f32 to vector<2x1x4096xf32>
      %sub3A_93 = arith.subf %slice3A_86, %sub3A_92 : vector<2x1x4096xf32>
      %exp3A_94 = math.exp %sub3A_93 : vector<2x1x4096xf32>
      %reduce_sum3A_95 = vector.shape_cast %exp3A_94 : vector<2x1x4096xf32> to vector<1x2x1x4096xf32>
      %reduce_sum3A_96 = arith.constant dense<0.000000e+00> : vector<1xf32>
      %reduce_sum3A_97 = vector.multi_reduction <add>, %reduce_sum3A_95, %reduce_sum3A_96 [1, 2, 3] : vector<1x2x1x4096xf32> to vector<1xf32>
      %reduce_sum3A_98 = vector.shape_cast %reduce_sum3A_97 : vector<1xf32> to vector<1x1x1x1xf32>
      %reduce_sum3A_99 = vector.extract %reduce_sum3A_98[0, 0, 0, 0] : f32 from vector<1x1x1x1xf32>
      %log3A_100 = math.log %reduce_sum3A_99 : f32
      %add3A_101 = arith.addf %log3A_100, %reduce_max3A_91 : f32
      %mul3A_102 = arith.mulf %add3A_101, %add3A_101 : f32
      %bitcast_convert_type3A_103 = arith.bitcast %scan3A_49#2 : i32 to f32
      %gt3A_104 = vector.broadcast %bitcast_convert_type3A_103 : f32 to vector<2x1x4096xf32>
      %gt3A_105 = arith.cmpf ogt, %slice3A_36, %gt3A_104 : vector<2x1x4096xf32>
      %convert_element_type3A_106 = arith.extui %gt3A_105 : vector<2x1x4096xi1> to vector<2x1x4096xi32>
      %reduce_sum3A_107 = vector.shape_cast %convert_element_type3A_106 : vector<2x1x4096xi32> to vector<1x2x1x4096xi32>
      %reduce_sum3A_108 = arith.constant dense<0> : vector<1xi32>
      %reduce_sum3A_109 = vector.multi_reduction <add>, %reduce_sum3A_107, %reduce_sum3A_108 [1, 2, 3] : vector<1x2x1x4096xi32> to vector<1xi32>
      %reduce_sum3A_110 = vector.shape_cast %reduce_sum3A_109 : vector<1xi32> to vector<1x1x1x1xi32>
      %reduce_sum3A_111 = vector.extract %reduce_sum3A_110[0, 0, 0, 0] : i32 from vector<1x1x1x1xi32>
      %broadcast_in_dim3A_112 = vector.broadcast %bitcast_convert_type3A_103 : f32 to vector<1x16xf32>
      %sub3A_113 = arith.constant 4096 : i32
      %sub3A_114 = arith.subi %sub3A_113, %reduce_sum3A_111 : i32
      %broadcast_in_dim3A_115 = vector.broadcast %sub3A_114 : i32 to vector<1x16xi32>
      %slice3A_116 = vector.extract_strided_slice %get3A_34 {offsets = [4, 0, 0], sizes = [2, 1, 4096], strides = [1, 1, 1]} : vector<8x1x4096xf32> to vector<2x1x4096xf32>
      %reduce_max3A_117 = vector.shape_cast %slice3A_116 : vector<2x1x4096xf32> to vector<1x2x1x4096xf32>
      %reduce_max3A_118 = arith.constant dense<0xFF800000> : vector<1xf32>
      %reduce_max3A_119 = vector.multi_reduction <maximumf>, %reduce_max3A_117, %reduce_max3A_118 [1, 2, 3] : vector<1x2x1x4096xf32> to vector<1xf32>
      %reduce_max3A_120 = vector.shape_cast %reduce_max3A_119 : vector<1xf32> to vector<1x1x1x1xf32>
      %reduce_max3A_121 = vector.extract %reduce_max3A_120[0, 0, 0, 0] : f32 from vector<1x1x1x1xf32>
      %sub3A_122 = vector.broadcast %reduce_max3A_121 : f32 to vector<2x1x4096xf32>
      %sub3A_123 = arith.subf %slice3A_116, %sub3A_122 : vector<2x1x4096xf32>
      %exp3A_124 = math.exp %sub3A_123 : vector<2x1x4096xf32>
      %reduce_sum3A_125 = vector.shape_cast %exp3A_124 : vector<2x1x4096xf32> to vector<1x2x1x4096xf32>
      %reduce_sum3A_126 = arith.constant dense<0.000000e+00> : vector<1xf32>
      %reduce_sum3A_127 = vector.multi_reduction <add>, %reduce_sum3A_125, %reduce_sum3A_126 [1, 2, 3] : vector<1x2x1x4096xf32> to vector<1xf32>
      %reduce_sum3A_128 = vector.shape_cast %reduce_sum3A_127 : vector<1xf32> to vector<1x1x1x1xf32>
      %reduce_sum3A_129 = vector.extract %reduce_sum3A_128[0, 0, 0, 0] : f32 from vector<1x1x1x1xf32>
      %log3A_130 = math.log %reduce_sum3A_129 : f32
      %add3A_131 = arith.addf %log3A_130, %reduce_max3A_121 : f32
      %mul3A_132 = arith.mulf %add3A_131, %add3A_131 : f32
      %bitcast_convert_type3A_133 = arith.bitcast %scan3A_49#3 : i32 to f32
      %gt3A_134 = vector.broadcast %bitcast_convert_type3A_133 : f32 to vector<2x1x4096xf32>
      %gt3A_135 = arith.cmpf ogt, %slice3A_37, %gt3A_134 : vector<2x1x4096xf32>
      %convert_element_type3A_136 = arith.extui %gt3A_135 : vector<2x1x4096xi1> to vector<2x1x4096xi32>
      %reduce_sum3A_137 = vector.shape_cast %convert_element_type3A_136 : vector<2x1x4096xi32> to vector<1x2x1x4096xi32>
      %reduce_sum3A_138 = arith.constant dense<0> : vector<1xi32>
      %reduce_sum3A_139 = vector.multi_reduction <add>, %reduce_sum3A_137, %reduce_sum3A_138 [1, 2, 3] : vector<1x2x1x4096xi32> to vector<1xi32>
      %reduce_sum3A_140 = vector.shape_cast %reduce_sum3A_139 : vector<1xi32> to vector<1x1x1x1xi32>
      %reduce_sum3A_141 = vector.extract %reduce_sum3A_140[0, 0, 0, 0] : i32 from vector<1x1x1x1xi32>
      %broadcast_in_dim3A_142 = vector.broadcast %bitcast_convert_type3A_133 : f32 to vector<1x16xf32>
      %sub3A_143 = arith.constant 4096 : i32
      %sub3A_144 = arith.subi %sub3A_143, %reduce_sum3A_141 : i32
      %broadcast_in_dim3A_145 = vector.broadcast %sub3A_144 : i32 to vector<1x16xi32>
      %slice3A_146 = vector.extract_strided_slice %get3A_34 {offsets = [6, 0, 0], sizes = [2, 1, 4096], strides = [1, 1, 1]} : vector<8x1x4096xf32> to vector<2x1x4096xf32>
      %reduce_max3A_147 = vector.shape_cast %slice3A_146 : vector<2x1x4096xf32> to vector<1x2x1x4096xf32>
      %reduce_max3A_148 = arith.constant dense<0xFF800000> : vector<1xf32>
      %reduce_max3A_149 = vector.multi_reduction <maximumf>, %reduce_max3A_147, %reduce_max3A_148 [1, 2, 3] : vector<1x2x1x4096xf32> to vector<1xf32>
      %reduce_max3A_150 = vector.shape_cast %reduce_max3A_149 : vector<1xf32> to vector<1x1x1x1xf32>
      %reduce_max3A_151 = vector.extract %reduce_max3A_150[0, 0, 0, 0] : f32 from vector<1x1x1x1xf32>
      %sub3A_152 = vector.broadcast %reduce_max3A_151 : f32 to vector<2x1x4096xf32>
      %sub3A_153 = arith.subf %slice3A_146, %sub3A_152 : vector<2x1x4096xf32>
      %exp3A_154 = math.exp %sub3A_153 : vector<2x1x4096xf32>
      %reduce_sum3A_155 = vector.shape_cast %exp3A_154 : vector<2x1x4096xf32> to vector<1x2x1x4096xf32>
      %reduce_sum3A_156 = arith.constant dense<0.000000e+00> : vector<1xf32>
      %reduce_sum3A_157 = vector.multi_reduction <add>, %reduce_sum3A_155, %reduce_sum3A_156 [1, 2, 3] : vector<1x2x1x4096xf32> to vector<1xf32>
      %reduce_sum3A_158 = vector.shape_cast %reduce_sum3A_157 : vector<1xf32> to vector<1x1x1x1xf32>
      %reduce_sum3A_159 = vector.extract %reduce_sum3A_158[0, 0, 0, 0] : f32 from vector<1x1x1x1xf32>
      %log3A_160 = math.log %reduce_sum3A_159 : f32
      %add3A_161 = arith.addf %log3A_160, %reduce_max3A_151 : f32
      %mul3A_162 = arith.mulf %add3A_161, %add3A_161 : f32
      %concatenate3A = tpu.concatenate %broadcast_in_dim3A_56, %broadcast_in_dim3A_82, %broadcast_in_dim3A_112, %broadcast_in_dim3A_142 in 0 : vector<1x16xf32>, vector<1x16xf32>, vector<1x16xf32>, vector<1x16xf32> -> vector<4x16xf32>
      %swap3A_163 = arith.constant 0 : index
      %swap3A_164 = arith.constant 0 : index
      %swap3A_165 = vector.load %arg4[%swap3A_163, %swap3A_164] : memref<4x16xf32, #tpu.memory_space<vmem>>, vector<4x16xf32>
      tpu.vector_store %arg4[%swap3A_163, %swap3A_164], %concatenate3A {strides = array<i32>} : memref<4x16xf32, #tpu.memory_space<vmem>>, vector<4x16xf32>,
      %concatenate3A_166 = tpu.concatenate %broadcast_in_dim3A_58, %broadcast_in_dim3A_85, %broadcast_in_dim3A_115, %broadcast_in_dim3A_145 in 0 : vector<1x16xi32>, vector<1x16xi32>, vector<1x16xi32>, vector<1x16xi32> -> vector<4x16xi32>
      %swap3A_167 = arith.constant 0 : index
      %swap3A_168 = arith.constant 0 : index
      %swap3A_169 = vector.load %arg5[%swap3A_167, %swap3A_168] : memref<4x16xi32, #tpu.memory_space<vmem>>, vector<4x16xi32>
      tpu.vector_store %arg5[%swap3A_167, %swap3A_168], %concatenate3A_166 {strides = array<i32>} : memref<4x16xi32, #tpu.memory_space<vmem>>, vector<4x16xi32>,
      %add3A_170 = arith.addf %mul3A, %mul3A_102 : f32
      %add3A_171 = arith.addf %add3A_170, %mul3A_132 : f32
      %add3A_172 = arith.addf %add3A_171, %mul3A_162 : f32
      %div3A_173 = arith.constant 4.000000e+00 : f32
      %div3A_174 = arith.divf %add3A_172, %div3A_173 : f32
      %broadcast_in_dim3A_175 = vector.broadcast %div3A_174 : f32 to vector<1x1xf32>
      %swap3A_176 = arith.constant 0 : index
      %swap3A_177 = arith.constant 0 : index
      %swap3A_178 = vector.load %arg6[%swap3A_176, %swap3A_177] : memref<1x1xf32, #tpu.memory_space<vmem>>, vector<1x1xf32>
      tpu.vector_store %arg6[%swap3A_176, %swap3A_177], %broadcast_in_dim3A_175 {strides = array<i32>} : memref<1x1xf32, #tpu.memory_space<vmem>>, vector<1x1xf32>,
    } else {
    }
    return
  }
  func.func @transform_0(%arg0: i32) -> (i32, i32) {
    %c0_i32 = arith.constant 0 : i32
    %c0_i32_0 = arith.constant 0 : i32
    return %arg0, %c0_i32 : i32, i32
  }
  func.func @transform_1(%arg0: i32) -> (i32, i32) {
    %c0_i32 = arith.constant 0 : i32
    %c0_i32_0 = arith.constant 0 : i32
    %c0_i32_1 = arith.constant 0 : i32
    return %c0_i32, %c0_i32_0 : i32, i32
  }
  func.func @transform_2(%arg0: i32) -> (i32, i32, i32) {
    %c0_i32 = arith.constant 0 : i32
    %c0_i32_0 = arith.constant 0 : i32
    %c0_i32_1 = arith.constant 0 : i32
    return %arg0, %c0_i32, %c0_i32_0 : i32, i32, i32
  }
  func.func @transform_3(%arg0: i32) -> (i32, i32) {
    %c0_i32 = arith.constant 0 : i32
    %c0_i32_0 = arith.constant 0 : i32
    %c0_i32_1 = arith.constant 0 : i32
    return %c0_i32, %c0_i32_0 : i32, i32
  }
  func.func @transform_4(%arg0: i32) -> (i32, i32) {
    %c0_i32 = arith.constant 0 : i32
    %c0_i32_0 = arith.constant 0 : i32
    %c0_i32_1 = arith.constant 0 : i32
    return %c0_i32, %c0_i32_0 : i32, i32
  }
  func.func @transform_5(%arg0: i32) -> (i32, i32) {
    %c0_i32 = arith.constant 0 : i32
    %c0_i32_0 = arith.constant 0 : i32
    %c0_i32_1 = arith.constant 0 : i32
    return %c0_i32, %c0_i32_0 : i32, i32
  }
}

</mosaic_0001>

<sc_bundles>
// kernel: kernel.5.cloned.1.call-start
scs
__scs_entry_jumppad:
0x0: {  	(pc) =	sbr.rel $0x88, $3  }
0x1: {  	(tag) =	ssettag $0x0;
	lr =	simm.s32 $0x1  }
0x2: {  	[smem:$0x3F9E] =	sst lr;
	_ =	strace $0xD0000000  }
0x3: {  	_ = 	snop  }
0x4: {  	_ = 	snop  }
0x5: {  	_ = 	snop  }
0x6: {  	_ = 	snop  }
0x7: {  	_ = 	snop  }
__scs_overlays_trampoline_lowered:
0x8: {  	[smem:$0x3FAD] =	sst s0  }
0x9: {  	[smem:$0x3FAE] =	sst s1  }
0xa: {  	[smem:$0x3FAF] =	sst s2  }
0xb: {  	[smem:$0x3FB0] =	sst s3  }
0xc: {  	[smem:$0x3FB1] =	sst s4  }
0xd: {  	[smem:$0x3FB2] =	sst s5  }
0xe: {  	[smem:$0x3FB3] =	sst s6  }
0xf: {  	[smem:$0x3FB4] =	sst s7  }
0x10: {  	[smem:$0x3FB5] =	sst s8  }
0x11: {  	[smem:$0x3FB6] =	sst s9;
	s0 =	simm.s32 @!p0 $0x0  }
0x12: {  	s1 =	sld [smem:$0x3F9C];
	s0 =	simm.s32 @p0 $0x1  }
0x13: {  	[smem:$0x3FB7] =	sst s0;
	s0 =	simm.s32 @!p1 $0x0  }
0x14: {  	s2 =	sld [smem:$0x3F9B];
	s0 =	simm.s32 @p1 $0x1  }
0x15: {  	[smem:$0x3FB8] =	sst s0;
	s0 =	simm.s32 @!p2 $0x0  }
0x16: {  	s3 =	sld [smem:$0x3FDB];
	s0 =	simm.s32 @p2 $0x1  }
0x17: {  	s4 =	simm.s32 $0x1BF5;
	[smem:$0x3FBA] =	sst s0  }
0x18: {  	s0 =	sld [smem:$0x3F9D];
	_ =	swait.ge [sflag:s4], $0x0  }
0x19: {  	s7 =	sld [smem:$0x3F9E]  }
0x1a: {  	s8 =	sadd.s32 $0xFFFFE003, lr  }
0x1b: {  	s9 =	sadd.s32 $0xFFFFFEF7, lr;
	s5 =	simm.s32 $0xFFFFFFFF;
	p2 =	slt.u32 s8, $0xFFFFF086  }
0x1c: {  	p1 =	slt.u32 s9, $0xF7A;
	s5 =	simm.s32 @!p2 $0x0  }
0x1d: {  	s5 =	simm.s32 @p1 $0x1;
	p0 =	seq.s32 s7, s2  }
0x1e: {  	s7 =	smul.u32 @!p0 $0xF7A, s2;
	p2 =	seq.s32 @!p0 s5, $0x0  }
0x1f: {  	s9 =	smul.u32 $0xF7A, s1;
	s8 =	simm.s32 @!p0 $0x1BF5;
	p2 =	por !p2, p0  }
0x20: {  	[sflag:s8] =	ssyncset.s32 @!p0 $0xFFFFF086;
	s6 =	sadd.s32 @!p0 s3, s7;
	s7 =	simm.s32 @!p0 $0x108  }
0x21: {  	s3 =	sadd.s32 s3, s9;
	s6 =	sadd.s32 @!p0 $0x88, s6;
	s7 =	simm.s32 @p2 $0x1082  }
0x22: {  	[simem:s7], [sflag:s8] =	dma.local @!p0 [hbm:s6], $0xF7A  }
0x23: {  	s9 =	sor.u32 $0xD0000000, s2;
	s6 =	simm.s32 $0x108;
	_ =	swait.ge @!p0 [sflag:s8], $0x0  }
0x24: {  	s3 =	sadd.s32 $0x88, s3;
	s6 =	simm.s32 @!p1 $0x1082;
	[sflag:s4] =	ssyncset.s32 $0xFFFFF086  }
0x25: {  	[simem:s6], [sflag:s4] =	dma.local [hbm:s3], $0xF7A  }
0x26: {  	[smem:$0x3F9E] =	sst s1;
	(tag) =	ssettag s2;
	_ =	strace s9  }
0x27: {  	s1 =	sld [smem:$0x3FAE]  }
0x28: {  	s2 =	sld [smem:$0x3FAF]  }
0x29: {  	s4 =	sld [smem:$0x3FB1]  }
0x2a: {  	p0 =	seq.s32 s5, $0x0;
	s5 =	sld [smem:$0x3FB2]  }
0x2b: {  	s6 =	sld [smem:$0x3FB3]  }
0x2c: {  	s7 =	sld [smem:$0x3FB4]  }
0x2d: {  	s3 =	simm.s32 $0x108;
	s8 =	sld [smem:$0x3FB5]  }
0x2e: {  	s3 =	simm.s32 @!p0 $0x1082;
	s9 =	sld [smem:$0x3FB6]  }
0x2f: {  	lr =	sadd.s32 s0, s3;
	s0 =	sld [smem:$0x3FAD]  }
0x30: {  	s3 =	sld [smem:$0x3FB0]  }
0x31: {  	[smem:$0x3FB9] =	sst s10  }
0x32: {  	s10 =	sld [smem:$0x3FB7];
	_ =	sdelay $0x3  }
0x33: {  	p0 =	seq.s32 s10, $0x1;
	s10 =	sld [smem:$0x3FB9];
	_ =	sdelay $0x3  }
0x34: {  	[smem:$0x3FB9] =	sst s10  }
0x35: {  	s10 =	sld [smem:$0x3FB8];
	_ =	sdelay $0x3  }
0x36: {  	p1 =	seq.s32 s10, $0x1;
	s10 =	sld [smem:$0x3FB9];
	_ =	sdelay $0x3  }
0x37: {  	[smem:$0x3FB9] =	sst s10  }
0x38: {  	s10 =	sld [smem:$0x3FBA]  }
0x39: {  	_ = 	snop;
	(pc) =	sbr.ind lr, $3  }
0x3a: {  	_ = 	snop  }
0x3b: {  	_ = 	snop  }
0x3c: {  	p2 =	seq.s32 s10, $0x1;
	s10 =	sld [smem:$0x3FB9]  }
0x3d: {  	_ =	shalt  }
0x3e: {  	_ =	shalt  }
0x3f: {  	_ =	shalt  }
0x40: {  	_ =	shalt  }
0x41: {  	_ =	shalt  }
0x42: {  	_ =	shalt  }
0x43: {  	_ =	shalt  }
0x44: {  	_ =	shalt  }
0x45: {  	_ =	shalt  }
0x46: {  	_ =	shalt  }
0x47: {  	_ =	shalt  }
0x48: {  	_ =	shalt  }
0x49: {  	_ =	shalt  }
0x4a: {  	_ =	shalt  }
0x4b: {  	_ =	shalt  }
0x4c: {  	_ =	shalt  }
0x4d: {  	_ =	shalt  }
0x4e: {  	_ =	shalt  }
0x4f: {  	_ =	shalt  }
0x50: {  	_ =	shalt  }
0x51: {  	_ =	shalt  }
0x52: {  	_ =	shalt  }
0x53: {  	_ =	shalt  }
0x54: {  	_ =	shalt  }
0x55: {  	_ =	shalt  }
0x56: {  	_ =	shalt  }
0x57: {  	_ =	shalt  }
0x58: {  	_ =	shalt  }
0x59: {  	_ =	shalt  }
0x5a: {  	_ =	shalt  }
0x5b: {  	_ =	shalt  }
0x5c: {  	_ =	shalt  }
0x5d: {  	_ =	shalt  }
0x5e: {  	_ =	shalt  }
0x5f: {  	_ =	shalt  }
0x60: {  	_ =	shalt  }
0x61: {  	_ =	shalt  }
0x62: {  	_ =	shalt  }
0x63: {  	_ =	shalt  }
0x64: {  	_ =	shalt  }
0x65: {  	_ =	shalt  }
0x66: {  	_ =	shalt  }
0x67: {  	_ =	shalt  }
0x68: {  	_ =	shalt  }
0x69: {  	_ =	shalt  }
0x6a: {  	_ =	shalt  }
0x6b: {  	_ =	shalt  }
0x6c: {  	_ =	shalt  }
0x6d: {  	_ =	shalt  }
0x6e: {  	_ =	shalt  }
0x6f: {  	_ =	shalt  }
0x70: {  	_ =	shalt  }
0x71: {  	_ =	shalt  }
0x72: {  	_ =	shalt  }
0x73: {  	_ =	shalt  }
0x74: {  	_ =	shalt  }
0x75: {  	_ =	shalt  }
0x76: {  	_ =	shalt  }
0x77: {  	_ =	shalt  }
0x78: {  	_ =	shalt  }
0x79: {  	_ =	shalt  }
0x7a: {  	_ =	shalt  }
0x7b: {  	_ =	shalt  }
0x7c: {  	_ =	shalt  }
0x7d: {  	_ =	shalt  }
0x7e: {  	_ =	shalt  }
0x7f: {  	_ =	shalt  }
0x80: {  	_ =	shalt  }
0x81: {  	_ =	shalt  }
0x82: {  	_ =	shalt  }
0x83: {  	_ =	shalt  }
0x84: {  	_ =	shalt  }
0x85: {  	_ =	shalt  }
0x86: {  	_ =	shalt  }
0x87: {  	_ =	shalt  }
.Lfunc_end0:
.L_simem_size_0:
called_computation_lowered:
.L_overlay_start_0:
0x88: {  	s2 =	sld [smem:$0x3FD9]  }
0x89: {  	s3 =	sld [smem:$0x3FFE];
	_ =	sdelay $0x1  }
0x8a: {  	s1 =	srdreg.scid  }
0x8b: {  	s0 =	sand.u32 $0x1, s1  }
0x8c: {  	s14 =	sshll.u32 s0, $0xA;
	s2 =	sadd.s32 s3, s2  }
0x8d: {  	s2 =	sadd.s32 s2, s14  }
0x8e: {  	[smem:$0x3FC5] =	sst s2  }
0x8f: {  	_ = 	snop  }
0x90: {  	s2 =	sld [smem:$0x3FD0];
	_ =	sdelay $0x2  }
0x91: {  	s15 =	simm.s32 $0xA;
	s4 =	simm.s32 $0x10  }
0x92: {  	[smem:s4], [sflag:s15] =	dma.local [hbm:s2], $0x1  }
0x93: {  	_ =	swait.eq [sflag:s15], $0x1  }
0x94: {  	[sflag:s15] =	ssyncset.done $0x0  }
0x95: {  	[sflag:s15] =	ssyncadd.s32 $0xFFFFFFFF  }
0x96: {  	s16 =	sld [smem:$0x12];
	(tm) =	ssettm $0x1  }
0x97: {  	s17 =	sld [smem:$0x3FFB];
	_ =	sdelay $0x3  }
0x98: {  	_ =	strace s17  }
0x99: {  	s3 =	sld [smem:$0x3FFC];
	_ =	sdelay $0x3  }
0x9a: {  	_ =	strace s3  }
0x9b: {  	s3 =	sld [smem:$0x3FFD];
	_ =	sdelay $0x3  }
0x9c: {  	_ =	strace s3  }
0x9d: {  	_ =	strace $0x8FFFFFFF  }
0x9e: {  	s18 =	sld [smem:$0x3FDB];
	_ =	sdelay $0x1  }
0x9f: {  	s19 =	simm.s32 $_scs_section_size  }
0xa0: {  	s5 =	simm.s32 $_size__tile_overlayer_lowered;
	s6 =	simm.s32 $_tile_overlayer_lowered  }
0xa1: {  	s22 =	simm.s32 $0x1BFF;
	s21 =	sshll.u32 s6, $0x1;
	s3 =	sadd.s32 s19, s18  }
0xa2: {  	s7 =	simm.s32 $0x0;
	s20 =	sshll.u32 s5, $0x1;
	s5 =	sadd.s32 s21, s3  }
0xa3: {  	[timem:s7], [sflag:s22] =	dma.local [hbm:s5], s20  }
0xa4: {  	_ =	swait.ge [sflag:s22], s20  }
0xa5: {  	s4 =	ssub.s32 $0x0, s20;
	[sflag:s22] =	ssyncset.done $0x0  }
0xa6: {  	[sflag:s22] =	ssyncadd.s32 s4;
	_ =	sdelay $0x1  }
0xa7: {  	s23 =	simm.s32 $0x1B8B  }
0xa8: {  	_ =	swait.ge [sflag:s23], $0x1  }
0xa9: {  	[sflag:s23] =	ssyncset.done $0x0  }
0xaa: {  	s25 =	simm.s32 $0x1B8E;
	s24 =	sld [smem:$0x3FFE];
	[sflag:s23] =	ssyncadd.s32 $0xFFFFFFFF  }
0xab: {  	s26 =	simm.s32 $execute0_lowered;
	[smem:$0x3FD2] =	sst s25  }
0xac: {  	s5 =	sshll.u32 s26, $0x1;
	_ =	strace $0x80000046;
	[dreg:$0x1] =	wrdreg $0xFFFFFFFF  }
0xad: {  	s28 =	simm.s32 $_size_execute0_lowered;
	s3 =	sadd.s32 s3, s5;
	[dreg:$0x0] =	wrdreg $0x0  }
0xae: {  	s5 =	sshll.u32 s28, $0x1;
	[dreg:$0x2] =	wrdreg s3  }
0xaf: {  	[dreg:$0x3] =	wrdreg s5  }
0xb0: {  	[dreg:$0x4] =	wrdreg $0xC0  }
0xb1: {  	_ =	task [dreg:s7], $0x5FFFF  }
0xb2: {  	[dreg:$0x1] =	wrdreg $0xFFFFFFFF  }
0xb3: {  	[dreg:$0x0] =	wrdreg $0x60  }
0xb4: {  	[dreg:$0x2] =	wrdreg s24  }
0xb5: {  	[dreg:$0x3] =	wrdreg s16  }
0xb6: {  	[dreg:$0x4] =	wrdreg $0x9  }
0xb7: {  	_ =	task.clear_ibuf [dreg:s7], $0x5FFFF;
	_ =	strace $0x90000046  }
0xb8: {  	s29 =	simm.s32 $0x9;
	_ =	strace $0x80000048  }
0xb9: {  	_ =	swait.ge [sflag:s29], $0x1  }
0xba: {  	[sflag:s29] =	ssyncadd.s32 $0xFFFFFFFF  }
0xbb: {  	_ =	strace $0x90000048  }
0xbc: {  	_ =	sfence  }
0xbd: {  	s30 =	sld [smem:$0x0];
	_ =	sdelay $0x2  }
0xbe: {  	s31 =	sshll.u32 s1, $0xD;
	s1 =	sshrl.u32 s1, $0x2  }
0xbf: {  	s3 =	sand.u32 $0x4000, s31;
	s1 =	sadd.s32 s1, s30  }
0xc0: {  	s0 =	sor.u32 s3, s0;
	s1 =	sshll.u32 s1, $0x11  }
0xc1: {  	s0 =	sor.u32 s1, s0  }
0xc2: {  	s0 =	sadd.s32 $0x8F2B, s0  }
0xc3: {  	[sflag:s0] =	ssyncadd.remote.s32 $0x1  }
0xc4: {  	_ =	sfence.sel $0xFFFF  }
0xc5: {  	[dreg:$0x0] =	wrdreg $0xFFFFFFFF;
	(pc) =	sbr.abs _section_cstart, $3  }
0xc6: {  	[dreg:$0x1] =	wrdreg $0xFFFFFFFF  }
0xc7: {  	_ =	task.clear_ibuf [dreg:s7], $0x2FFFF;
	_ =	strace $0x9FFFFFFF  }
0xc8: {  	(tm) =	ssettm $0x7FFFFFFF  }
0xc9: {  	_ =	shalt  }
tec
execute0_lowered:
.L_overlay_start_1:
0x0: {  	(tag) =	ssettag $0x1  }
0x1: {  	s1 =	stileid.u32  }
0x2: {  	p0 =	sgt.u32 s1, $0x1  }
.Ltmp0:
0x3: {  	_ = 	snop;
	(pc) =	sbr.rel @p0 .LBB2_5-.Ltmp0, $4  }
0x4: {  	s3 =	rddreg [dreg:$0x0]  }
0x5: {  	s4 =	rddreg [dreg:$0x1];
	s2 =	simm.s32 $0x0  }
0x6: {  	[smem:$0x7FF] =	sst s2  }
0x7: {  	s0 =	rddreg [dreg:$0x2];
	_ =	strace $0x80000047  }
0x8: {  	s5 =	srdreg.scid;
	s6 =	sshll.u32 s1, $0x1  }
0x9: {  	s8 =	sadd.s32 $0xE00, s3;
	s11 =	simm.s32 $0x2000;
	s5 =	sand.u32 $0x1, s5  }
0xa: {  	s12 =	simm.s32 $0x0;
	s6 =	sor.u32 s5, s6;
	s30 =	ssub.s32 $0x2, s5  }
0xb: {  	s7 =	sshll.u32 s6, $0x1;
	s10 =	sshll.u32 s6, $0x9;
	s31 =	sshrl.u32 s30, $0x1  }
0xc: {  	s6 =	sshll.u32 s6, $0xA;
	s9 =	sadd.s32 s7, s3;
	s10 =	sadd.s32 s10, s3  }
0xd: {  	s3 =	sadd.s32 s4, s7;
	s7 =	ssub.s32 s30, s31;
	s6 =	sadd.s32 s8, s6  }
0xe: {  	s8 =	simm.s32 $0x1;
	s4 =	sadd.s32 $0x1E00, s9;
	s5 =	sadd.s32 $0x2000, s10  }
0xf: {  	v0 =	vimm.s32 $0x0;
	v1 =	vlaneseq.u32;
	s7 =	smax.u32 s7, $0x1;
	s9 =	simm.s32 $0x3080;
	s10 =	simm.s32 $0x3100  }
.LBB2_2:
0x10: {  	s13 =	simm.s32 $0x0  }
0x11: {  	[tilespmem:s13], [sflag:$0x1] =	stream.linear.gather [hbm4b:s6+s13], $0x2000, $0x38;
	[tilespmem:$0x3180] =	vst v63  }
0x12: {  	_ =	swait.ge [sflag:s8], $0x2000  }
0x13: {  	[sflag:s8] =	ssyncset.done $0x0  }
0x14: {  	[sflag:s8] =	ssyncadd.s32 $0xFFFFE000  }
0x15: {  	[tilespmem:s9], [sflag:$0x1] =	stream.linear.gather [hbm4b:s3+s13], $0x10, $0x38;
	[tilespmem:$0x3180] =	vst v63  }
0x16: {  	_ =	swait.ge [sflag:s8], $0x10  }
0x17: {  	[sflag:s8] =	ssyncset.done $0x0  }
0x18: {  	[sflag:s8] =	ssyncadd.s32 $0xFFFFFFF0  }
0x19: {  	[tilespmem:s10], [sflag:$0x1] =	stream.linear.gather [hbm4b:s4+s13], $0x10, $0x38;
	[tilespmem:$0x3180] =	vst v63  }
0x1a: {  	_ =	swait.ge [sflag:s8], $0x10  }
0x1b: {  	[sflag:s8] =	ssyncset.done $0x0  }
0x1c: {  	[sflag:s8] =	ssyncadd.s32 $0xFFFFFFF0  }
0x1d: {  	v2 =	vld [tilespmem:$0x3080]  }
0x1e: {  	v4 =	vld [tilespmem:s13+$0x0];
	_ =	sdelay $0x4  }
0x1f: {  	vm0 =	veq.f32 v4, v2  }
0x20: {  	v3 =	vsel vm0, $0x1, v0  }
0x21: {  	(xrf0) =	vadd.scan.msk.s32 $0xffff, v3;
	_ =	sdelay $0x2  }
0x22: {  	v3 =	vld [tilespmem:$0x3100];
	_ =	sdelay $0x1  }
0x23: {  	v5 =	vsel vm0, $0xFFFFFFFF, v0  }
0x24: {  	v5 =	vadd.s32 s13, v5;
	v6, _, _ =	vpop (xrf0)  }
0x25: {  	v5 =	vadd.s32 v6, v5;
	(v2sf) =	vpush v6, $0xF  }
0x26: {  	vm1 =	vlt.s32 v5, v3  }
0x27: {  	vm2 =	vgt.f32 v4, v2;
	vm0 =	vmand vm0, vm1  }
0x28: {  	v4 =	vor.u32 s13, v1;
	vm0 =	vmor vm2, vm0  }
0x29: {  	[tilespmem:s13+$0x2000] =	vst.msk vm0, v4;
	v4 =	vsel vm0, $0x1, v0  }
0x2a: {  	(xrf0) =	vadd.scan.msk.s32 $0xffff, v4;
	_ =	sdelay $0x1  }
0x2b: {  	s14 =	simm.s32 $0x10  }
0x2c: {  	s16 =	simm.s32 $0x20;
	s15 =	simm.s32 $0x0;
	s17 =	simm.s32 $0x10;
	v4 =	vld [tilespmem:s14+$0x0]  }
.LBB2_3:
0x2d: {  	p0 =	sne.s32 s16, $0x1FF0;
	_ =	sdelay $0x1  }
0x2e: {  	v5, _, _ =	vpop (xrf0)  }
0x2f: {  	(v2sf) =	vpush v5, $0xF  }
0x30: {  	vm0 =	vgt.f32 v4, v2;
	vm1 =	veq.f32 v4, v2  }
0x31: {  	v4 =	vsel vm1, $0xFFFFFFFF, v0;
	v5 =	vsel vm1, $0x1, v0  }
0x32: {  	(xrf0) =	vadd.scan.msk.s32 $0xffff, v5;
	s18 =	spop (v2sf)  }
0x33: {  	s13 =	sadd.s32 s13, s18;
	_ =	sdelay $0x4  }
0x34: {  	v4 =	vadd.s32 s13, v4;
	v5, _, _ =	vpop (xrf0)  }
0x35: {  	v4 =	vadd.s32 v5, v4;
	(v2sf) =	vpush v5, $0xF  }
0x36: {  	vm2 =	vlt.s32 v4, v3  }
0x37: {  	vm1 =	vmand vm1, vm2  }
0x38: {  	vm0 =	vmor vm0, vm1  }
.Ltmp1:
0x39: {  	v4 =	vsel vm0, $0x1, v0;
	(pc) =	sbr.rel @p0 .LBB2_3-.Ltmp1, $4  }
0x3a: {  	(xrf0) =	vadd.scan.msk.s32 $0xffff, v4;
	s18 =	spop (v2sf)  }
0x3b: {  	v4 =	vor.u32 s14, v1;
	s14 =	smov.u32 s16;
	s15 =	sadd.s32 s15, s18  }
0x3c: {  	s17 =	sadd.s32 $0x10, s17;
	[tilespmem:s15+$0x2000] =	vst.msk vm0, v4  }
0x3d: {  	s16 =	sadd.s32 $0x10, s16;
	v4 =	vld [tilespmem:s17+$0x0]  }
0x3e: {  	_ =	sdelay $0x3  }
0x3f: {  	vm0 =	veq.f32 v4, v2  }
0x40: {  	v5 =	vsel vm0, $0x1, v0  }
0x41: {  	(xrf0) =	vadd.scan.msk.s32 $0xffff, v5;
	_ =	sdelay $0x3  }
0x42: {  	s16 =	spop (v2sf)  }
0x43: {  	v63, _, _ =	vpop (xrf0);
	v6 =	vsel vm0, $0xFFFFFFFF, v0;
	s13 =	sadd.s32 s13, s16  }
0x44: {  	v6 =	vadd.s32 s13, v6;
	v7, _, _ =	vpop (xrf0)  }
0x45: {  	v6 =	vadd.s32 v7, v6  }
0x46: {  	vm1 =	vlt.s32 v6, v3  }
0x47: {  	vm2 =	vgt.f32 v4, v2;
	vm0 =	vmand vm0, vm1  }
0x48: {  	vm0 =	vmor vm2, vm0  }
0x49: {  	v2 =	vsel vm0, $0x1, v0  }
0x4a: {  	(xrf0) =	vadd.scan.msk.s32 $0xffff, v2;
	_ =	sdelay $0x1  }
0x4b: {  	(v2sf) =	vpush v63, $0xF;
	_ =	sdelay $0x3  }
0x4c: {  	(v2sf) =	vpush v7, $0xF;
	v2, _, _ =	vpop (xrf0)  }
0x4d: {  	(v2sf) =	vpush v2, $0xF;
	_ =	sdelay $0x9  }
0x4e: {  	s29 =	spop (v2sf)  }
0x4f: {  	s12 =	sadd.s32 $0x1, s12;
	s13 =	sadd.s32 s15, s29;
	v2 =	vor.u32 s14, v1  }
0x50: {  	p0 =	sne.s32 s12, s7;
	[tilespmem:s13+$0x2000] =	vst.msk vm0, v2  }
0x51: {  	[hbm4b:s5+s2] =	stream.linear.scatter [tilespmem:s11], [sflag:$0x1], $0x1000, $0x38;
	[tilespmem:$0x3180] =	vst v63  }
.Ltmp2:
0x52: {  	s30 =	spop (v2sf);
	(pc) =	sbr.rel @p0 .LBB2_2-.Ltmp2, $4  }
0x53: {  	s31 =	spop (v2sf)  }
0x54: {  	_ =	swait.ge [sflag:s8], $0x1000  }
0x55: {  	[sflag:s8] =	ssyncset.done $0x0  }
0x56: {  	[sflag:s8] =	ssyncadd.s32 $0xFFFFF000  }
.LBB2_5:
0x57: {  	_ =	sfence.sel $0x180000  }
0x58: {  	[bflag:$0x0] =	sbarrier.arrive $0xFFFF  }
0x59: {  	p0 =	sne.s32 s1, $0x0;
	_ =	strace $0x90000047  }
0x5a: {  	s0 =	sadd.s32 @!p0 $0x100000, s0;
	[bflag:$0x2] =	sbarrier.arrive $0xFFFF  }
0x5b: {  	[sflag:s0] =	ssyncadd.tile.s32 @!p0 $0x1;
	_ =	shalt  }
.Lfunc_end2:
_tile_overlayer_lowered:
.L_overlay_start_2:
0x5c: {  	(tag) =	ssettag $0x2  }
0x5d: {  	s0 =	rddreg [dreg:$0x0];
	s2 =	stileid.u32  }
0x5e: {  	s1 =	rddreg [dreg:$0x1];
	p0 =	sne.s32 s2, $0x0  }
0x5f: {  	s3 =	rddreg [dreg:$0x2];
	[bflag:$0x3] =	sbarrier.arrive $0xFFFF;
	s2 =	simm.s32 @!p0 $0x1C01  }
0x60: {  	[timem:s3], [sflag:s2] =	dma.local @!p0 [hbm:s0], s1  }
0x61: {  	s0 =	simm.s32 @!p0 $0x1  }
0x62: {  	_ =	swait.ge @!p0 [sflag:s0], s1  }
0x63: {  	s1 =	ssub.s32 @!p0 $0x0, s1;
	[sflag:s0] =	ssyncset.done @!p0 $0x0  }
0x64: {  	[sflag:s0] =	ssyncadd.s32 @!p0 s1  }
0x65: {  	[bflag:$0x3] =	sbarrier.arrive $0xFFFF  }
0x66: {  	_ =	shalt  }

</sc_bundles>
